<compile_context>
chip_gen: v7x
topology: tpu7x:2x2x1
jax: 0.10.2.dev20260603
libtpu: 0.0.44.dev20260713+nightly
codegen_flags: <defaults>
</compile_context>

<pallas_src>
import functools

import jax
import jax.numpy as jnp
from jax.experimental import pallas as pl
from jax.experimental.pallas import tpu as pltpu
from jax.experimental.pallas import tpu_sc as plsc

APPEND_LEN = 512


def _kv_body(tok_ref, key_ref, value_ref, kt_ref, vt_ref, out_ref,
             *, n_pre, sblk):
    s = pl.program_id(1)

    @pl.when(s < n_pre)
    def _copy_prefill():
        out_ref[0] = key_ref[...]
        out_ref[1] = value_ref[...]

    @pl.when(s >= n_pre)
    def _write_append():
        local = tok_ref[0] - (s - n_pre) * sblk
        row = jax.lax.broadcasted_iota(jnp.int32, (1, sblk, 1, 1), 1)
        mask = row == local
        zero = jnp.zeros((), out_ref.dtype)
        out_ref[0] = jnp.where(mask, kt_ref[...], zero)
        out_ref[1] = jnp.where(mask, vt_ref[...], zero)


def _seg_body(seg_hbm, tokv_hbm, out_hbm, row_v, tok_v, *, B, S):
    cid = jax.lax.axis_index("c")
    sid = jax.lax.axis_index("s")
    wid = sid * 2 + cid

    @pl.when(wid < B)
    def _():
        def _go(sem_tok, sem_seg):
            c_tok = pltpu.make_async_copy(tokv_hbm, tok_v, sem_tok)
            c_seg = pltpu.make_async_copy(seg_hbm.at[wid],
                                          row_v.at[pl.ds(0, S)], sem_seg)
            c_tok.start()
            c_seg.start()
            zeros16 = jnp.zeros((16,), jnp.int32)
            for j in range(APPEND_LEN // 16):
                row_v[pl.ds(S + j * 16, 16)] = zeros16
            c_tok.wait()
            lanes = jax.lax.iota(jnp.int32, 16)
            t = tok_v[...]
            plsc.store_scatter(row_v, [t + S],
                               jnp.ones((16,), jnp.int32), mask=lanes == 0)
            c_seg.wait()
            pltpu.sync_copy(row_v, out_hbm.at[wid])

        pl.run_scoped(_go, pltpu.SemaphoreType.DMA, pltpu.SemaphoreType.DMA)


def kernel(key, value, decoder_segment_ids, key_token, value_token, token_index):
    B, S, H, D = key.shape
    s_out = S + APPEND_LEN
    sblk = 512
    bblk = 2
    n_pre = S // sblk
    n_blk = s_out // sblk
    n_b = B // bblk

    tok = jnp.clip(jnp.asarray(token_index, jnp.int32), 0, APPEND_LEN - 1)
    tok1 = tok.reshape(1)

    grid_spec = pltpu.PrefetchScalarGridSpec(
        num_scalar_prefetch=1,
        grid=(n_b, n_blk),
        in_specs=[
            pl.BlockSpec((bblk, sblk, H, D),
                         lambda b, s, tr: (b, jnp.minimum(s, n_pre - 1), 0, 0)),
            pl.BlockSpec((bblk, sblk, H, D),
                         lambda b, s, tr: (b, jnp.minimum(s, n_pre - 1), 0, 0)),
            pl.BlockSpec((bblk, 1, H, D), lambda b, s, tr: (b, 0, 0, 0)),
            pl.BlockSpec((bblk, 1, H, D), lambda b, s, tr: (b, 0, 0, 0)),
        ],
        out_specs=[
            pl.BlockSpec((2, bblk, sblk, H, D), lambda b, s, tr: (0, b, s, 0, 0)),
        ],
    )
    tokv = jnp.full((16,), tok, jnp.int32)
    seg_kernel = functools.partial(
        pl.kernel,
        out_type=jax.ShapeDtypeStruct((B, s_out), jnp.int32),
        mesh=plsc.VectorSubcoreMesh(core_axis_name="c", subcore_axis_name="s"),
        scratch_types=[
            pltpu.VMEM((s_out,), jnp.int32),
            pltpu.VMEM((16,), jnp.int32),
        ],
        compiler_params=pltpu.CompilerParams(needs_layout_passes=False),
    )(functools.partial(_seg_body, B=B, S=S))
    full_segment = seg_kernel(decoder_segment_ids, tokv)

    (kv_full,) = pl.pallas_call(
        functools.partial(_kv_body, n_pre=n_pre, sblk=sblk),
        grid_spec=grid_spec,
        out_shape=[jax.ShapeDtypeStruct((2, B, s_out, H, D), key.dtype)],
    )(tok1, key, value, key_token, value_token)

    lengths = jnp.zeros((B,), jnp.int32) + 1
    next_index = jnp.mod(jnp.asarray(token_index, jnp.int32) + 1, APPEND_LEN)
    return (kv_full, full_segment, lengths, next_index)

# --- scband reference (transcript-rebuilt; emitter-appended) ---
"""Pipeline reference for scband-kvcache-89077621719701 (READ-ONLY COPY).

The authoritative reference and input builder live on the scoring server;
editing this copy changes nothing except your own understanding.
"""

import jax, jax.numpy as jnp
import numpy as np

PREFILL_MAX = 2048
APPEND_MAX = 2560
PREFILL_DIM_ORDER = (0, 2, 1, 3)
APPEND_DIM_ORDER = (0, 2, 1, 3)


def _inverse_perm(perm):
    return tuple(np.argsort(np.array(perm)).tolist())


def setup_inputs() -> dict:
    key0 = jax.random.key(0)
    ks = jax.random.split(key0, 4)
    B, S, H, D = 8, 2048, 8, 128
    key = jax.random.normal(ks[0], (B, S, H, D), dtype=jnp.float32)
    value = jax.random.normal(ks[1], (B, S, H, D), dtype=jnp.float32)
    decoder_segment_ids = jnp.ones((B, S), dtype=jnp.int32)
    key_token = jax.random.normal(ks[2], (B, 1, H, D), dtype=jnp.float32)
    value_token = jax.random.normal(ks[3], (B, 1, H, D), dtype=jnp.float32)
    token_index = 3
    return {
        "key": key,
        "value": value,
        "decoder_segment_ids": decoder_segment_ids,
        "key_token": key_token,
        "value_token": value_token,
        "token_index": token_index,
    }


def reference(key, value, decoder_segment_ids, key_token, value_token, token_index):
    B, S, H, D = key.shape
    append_len = APPEND_MAX - PREFILL_MAX

    # --- prefill: write full key/value into cache in sharded (dim-order) layout ---
    prefill_key_cache = jnp.transpose(key, PREFILL_DIM_ORDER)
    prefill_value_cache = jnp.transpose(value, PREFILL_DIM_ORDER)
    prefill_segment = decoder_segment_ids

    # --- append: allocate AR cache and scatter a single token at token_index ---
    append_shape_logical = (B, append_len, H, D)
    append_shape = tuple(append_shape_logical[i] for i in APPEND_DIM_ORDER)
    seq_axis = APPEND_DIM_ORDER.index(1)
    append_key_cache = jnp.zeros(append_shape, dtype=key.dtype)
    append_value_cache = jnp.zeros(append_shape, dtype=value.dtype)
    kt = jnp.transpose(key_token, APPEND_DIM_ORDER)
    vt = jnp.transpose(value_token, APPEND_DIM_ORDER)
    append_key_cache = jax.lax.dynamic_update_index_in_dim(append_key_cache, kt, token_index, seq_axis)
    append_value_cache = jax.lax.dynamic_update_index_in_dim(append_value_cache, vt, token_index, seq_axis)

    # segment-id bookkeeping (append segment var covers full output length)
    append_segment = jnp.zeros((B, APPEND_MAX), dtype=jnp.int32)
    active = jnp.ones((B, 1), dtype=jnp.int32)
    append_segment = jax.lax.dynamic_update_index_in_dim(append_segment, active, PREFILL_MAX + token_index, 1)
    lengths = jnp.zeros((B,), dtype=jnp.int32) + 1
    next_index = jnp.mod(jnp.asarray(token_index, jnp.int32) + 1, APPEND_MAX - PREFILL_MAX)

    # --- read back caches in logical [B, S, H, D] layout and fuse ---
    inv_p = _inverse_perm(PREFILL_DIM_ORDER)
    inv_a = _inverse_perm(APPEND_DIM_ORDER)
    pk = jnp.transpose(prefill_key_cache, inv_p)
    pv = jnp.transpose(prefill_value_cache, inv_p)
    ak = jnp.transpose(append_key_cache, inv_a)
    av = jnp.transpose(append_value_cache, inv_a)
    full_key = jnp.concatenate([pk, ak], axis=1)
    full_value = jnp.concatenate([pv, av], axis=1)
    kv_full = jnp.stack([full_key, full_value], axis=0)
    full_segment = jnp.concatenate([prefill_segment, append_segment[:, PREFILL_MAX:]], axis=1)
    return (kv_full, full_segment, lengths, next_index)

if __name__ == "__main__":
    import jax
    _d = setup_inputs()
    print(jax.jit(kernel)(*tuple(_d.values())))

</pallas_src>

<mosaic_0001>
#map = affine_map<(d0, d1) -> (0, 0)>
#map1 = affine_map<(d0, d1) -> (0)>
module attributes {stable_mosaic.version = 14 : i64} {
  func.func @_seg_body(%arg0: i32, %arg1: i32, %arg2: memref<8x2048xi32, #tpu.memory_space<hbm>>, %arg3: memref<16xi32, #tpu.memory_space<hbm>>, %arg4: memref<8x2560xi32, #tpu.memory_space<hbm>>, %arg5: memref<2560xi32, #tpu.memory_space<vmem>>, %arg6: memref<16xi32, #tpu.memory_space<vmem>>) attributes {dimension_semantics = [#tpu.dimension_semantics<core_parallel>, #tpu.dimension_semantics<subcore_parallel>], iteration_bounds = array<i64: 2, 16>, scalar_prefetch = 0 : i64, scratch_operands = 2 : i64, tpu.core_type = #tpu.core_type<sc_vector_subcore>, window_params = [{transform_indices = #map}, {transform_indices = #map1}, {transform_indices = #map}]} {
    %mul3A = arith.constant 2 : i32
    %mul3A_0 = arith.muli %arg1, %mul3A : i32
    %add3A = arith.addi %mul3A_0, %arg0 : i32
    %lt3A = arith.constant 8 : i32
    %lt3A_1 = arith.cmpi slt, %add3A, %lt3A : i32
    %convert_element_type3A = arith.extui %lt3A_1 : i1 to i32
    %cond3A = arith.constant 0 : i32
    %cond3A_2 = arith.cmpi ne, %convert_element_type3A, %cond3A : i32
    scf.if %cond3A_2 {
      "tpu.region"() ({
        %run_scoped3A = tpu.sem_alloc : memref<!tpu.dma_semaphore, #tpu.memory_space<semaphore_mem>>
        %run_scoped3A_3 = tpu.sem_alloc : memref<!tpu.dma_semaphore, #tpu.memory_space<semaphore_mem>>
        tpu.enqueue_dma source(%arg3 : memref<16xi32, #tpu.memory_space<hbm>>) target(%arg6 : memref<16xi32, #tpu.memory_space<vmem>>) target_semaphore(%run_scoped3A : memref<!tpu.dma_semaphore, #tpu.memory_space<semaphore_mem>>)
        %dma_start3A = arith.constant 0 : i32
        %dma_start3A_4 = tpu.memref_slice %arg5[%dma_start3A] : memref<2560xi32, #tpu.memory_space<vmem>> -> memref<2048xi32, #tpu.memory_space<vmem>>
        %dma_start3A_5 = arith.constant 0 : i32
        %dma_start3A_6 = tpu.memref_slice %arg2[%add3A, %dma_start3A_5] : memref<8x2048xi32, #tpu.memory_space<hbm>> -> memref<1x2048xi32, #tpu.memory_space<hbm>>
        %dma_start3A_7 = tpu.memref_squeeze %dma_start3A_6 : memref<1x2048xi32, #tpu.memory_space<hbm>> -> memref<2048xi32, #tpu.memory_space<hbm>>
        %dma_start3A_8 = arith.constant 0 : i32
        %dma_start3A_9 = tpu.memref_slice %arg5[%dma_start3A_8] : memref<2560xi32, #tpu.memory_space<vmem>> -> memref<2048xi32, #tpu.memory_space<vmem>>
        %dma_start3A_10 = arith.constant 0 : i32
        %dma_start3A_11 = tpu.memref_slice %arg2[%add3A, %dma_start3A_10] : memref<8x2048xi32, #tpu.memory_space<hbm>> -> memref<1x2048xi32, #tpu.memory_space<hbm>>
        %dma_start3A_12 = tpu.memref_squeeze %dma_start3A_11 : memref<1x2048xi32, #tpu.memory_space<hbm>> -> memref<2048xi32, #tpu.memory_space<hbm>>
        tpu.enqueue_dma source(%dma_start3A_12 : memref<2048xi32, #tpu.memory_space<hbm>>) target(%dma_start3A_9 : memref<2048xi32, #tpu.memory_space<vmem>>) target_semaphore(%run_scoped3A_3 : memref<!tpu.dma_semaphore, #tpu.memory_space<semaphore_mem>>)
        %broadcast_in_dim3A = arith.constant 0 : i32
        %broadcast_in_dim3A_13 = vector.broadcast %broadcast_in_dim3A : i32 to vector<16xi32>
        %swap3A = arith.constant 2048 : index
        %swap3A_14 = tpu.vector_load %arg5[%swap3A] {strides = array<i32>} : memref<2560xi32, #tpu.memory_space<vmem>>, vector<16xi32>,
        tpu.vector_store %arg5[%swap3A], %broadcast_in_dim3A_13 {strides = array<i32>} : memref<2560xi32, #tpu.memory_space<vmem>>, vector<16xi32>,
        %swap3A_15 = arith.constant 2064 : index
        %swap3A_16 = tpu.vector_load %arg5[%swap3A_15] {strides = array<i32>} : memref<2560xi32, #tpu.memory_space<vmem>>, vector<16xi32>,
        tpu.vector_store %arg5[%swap3A_15], %broadcast_in_dim3A_13 {strides = array<i32>} : memref<2560xi32, #tpu.memory_space<vmem>>, vector<16xi32>,
        %swap3A_17 = arith.constant 2080 : index
        %swap3A_18 = tpu.vector_load %arg5[%swap3A_17] {strides = array<i32>} : memref<2560xi32, #tpu.memory_space<vmem>>, vector<16xi32>,
        tpu.vector_store %arg5[%swap3A_17], %broadcast_in_dim3A_13 {strides = array<i32>} : memref<2560xi32, #tpu.memory_space<vmem>>, vector<16xi32>,
        %swap3A_19 = arith.constant 2096 : index
        %swap3A_20 = tpu.vector_load %arg5[%swap3A_19] {strides = array<i32>} : memref<2560xi32, #tpu.memory_space<vmem>>, vector<16xi32>,
        tpu.vector_store %arg5[%swap3A_19], %broadcast_in_dim3A_13 {strides = array<i32>} : memref<2560xi32, #tpu.memory_space<vmem>>, vector<16xi32>,
        %swap3A_21 = arith.constant 2112 : index
        %swap3A_22 = tpu.vector_load %arg5[%swap3A_21] {strides = array<i32>} : memref<2560xi32, #tpu.memory_space<vmem>>, vector<16xi32>,
        tpu.vector_store %arg5[%swap3A_21], %broadcast_in_dim3A_13 {strides = array<i32>} : memref<2560xi32, #tpu.memory_space<vmem>>, vector<16xi32>,
        %swap3A_23 = arith.constant 2128 : index
        %swap3A_24 = tpu.vector_load %arg5[%swap3A_23] {strides = array<i32>} : memref<2560xi32, #tpu.memory_space<vmem>>, vector<16xi32>,
        tpu.vector_store %arg5[%swap3A_23], %broadcast_in_dim3A_13 {strides = array<i32>} : memref<2560xi32, #tpu.memory_space<vmem>>, vector<16xi32>,
        %swap3A_25 = arith.constant 2144 : index
        %swap3A_26 = tpu.vector_load %arg5[%swap3A_25] {strides = array<i32>} : memref<2560xi32, #tpu.memory_space<vmem>>, vector<16xi32>,
        tpu.vector_store %arg5[%swap3A_25], %broadcast_in_dim3A_13 {strides = array<i32>} : memref<2560xi32, #tpu.memory_space<vmem>>, vector<16xi32>,
        %swap3A_27 = arith.constant 2160 : index
        %swap3A_28 = tpu.vector_load %arg5[%swap3A_27] {strides = array<i32>} : memref<2560xi32, #tpu.memory_space<vmem>>, vector<16xi32>,
        tpu.vector_store %arg5[%swap3A_27], %broadcast_in_dim3A_13 {strides = array<i32>} : memref<2560xi32, #tpu.memory_space<vmem>>, vector<16xi32>,
        %swap3A_29 = arith.constant 2176 : index
        %swap3A_30 = tpu.vector_load %arg5[%swap3A_29] {strides = array<i32>} : memref<2560xi32, #tpu.memory_space<vmem>>, vector<16xi32>,
        tpu.vector_store %arg5[%swap3A_29], %broadcast_in_dim3A_13 {strides = array<i32>} : memref<2560xi32, #tpu.memory_space<vmem>>, vector<16xi32>,
        %swap3A_31 = arith.constant 2192 : index
        %swap3A_32 = tpu.vector_load %arg5[%swap3A_31] {strides = array<i32>} : memref<2560xi32, #tpu.memory_space<vmem>>, vector<16xi32>,
        tpu.vector_store %arg5[%swap3A_31], %broadcast_in_dim3A_13 {strides = array<i32>} : memref<2560xi32, #tpu.memory_space<vmem>>, vector<16xi32>,
        %swap3A_33 = arith.constant 2208 : index
        %swap3A_34 = tpu.vector_load %arg5[%swap3A_33] {strides = array<i32>} : memref<2560xi32, #tpu.memory_space<vmem>>, vector<16xi32>,
        tpu.vector_store %arg5[%swap3A_33], %broadcast_in_dim3A_13 {strides = array<i32>} : memref<2560xi32, #tpu.memory_space<vmem>>, vector<16xi32>,
        %swap3A_35 = arith.constant 2224 : index
        %swap3A_36 = tpu.vector_load %arg5[%swap3A_35] {strides = array<i32>} : memref<2560xi32, #tpu.memory_space<vmem>>, vector<16xi32>,
        tpu.vector_store %arg5[%swap3A_35], %broadcast_in_dim3A_13 {strides = array<i32>} : memref<2560xi32, #tpu.memory_space<vmem>>, vector<16xi32>,
        %swap3A_37 = arith.constant 2240 : index
        %swap3A_38 = tpu.vector_load %arg5[%swap3A_37] {strides = array<i32>} : memref<2560xi32, #tpu.memory_space<vmem>>, vector<16xi32>,
        tpu.vector_store %arg5[%swap3A_37], %broadcast_in_dim3A_13 {strides = array<i32>} : memref<2560xi32, #tpu.memory_space<vmem>>, vector<16xi32>,
        %swap3A_39 = arith.constant 2256 : index
        %swap3A_40 = tpu.vector_load %arg5[%swap3A_39] {strides = array<i32>} : memref<2560xi32, #tpu.memory_space<vmem>>, vector<16xi32>,
        tpu.vector_store %arg5[%swap3A_39], %broadcast_in_dim3A_13 {strides = array<i32>} : memref<2560xi32, #tpu.memory_space<vmem>>, vector<16xi32>,
        %swap3A_41 = arith.constant 2272 : index
        %swap3A_42 = tpu.vector_load %arg5[%swap3A_41] {strides = array<i32>} : memref<2560xi32, #tpu.memory_space<vmem>>, vector<16xi32>,
        tpu.vector_store %arg5[%swap3A_41], %broadcast_in_dim3A_13 {strides = array<i32>} : memref<2560xi32, #tpu.memory_space<vmem>>, vector<16xi32>,
        %swap3A_43 = arith.constant 2288 : index
        %swap3A_44 = tpu.vector_load %arg5[%swap3A_43] {strides = array<i32>} : memref<2560xi32, #tpu.memory_space<vmem>>, vector<16xi32>,
        tpu.vector_store %arg5[%swap3A_43], %broadcast_in_dim3A_13 {strides = array<i32>} : memref<2560xi32, #tpu.memory_space<vmem>>, vector<16xi32>,
        %swap3A_45 = arith.constant 2304 : index
        %swap3A_46 = tpu.vector_load %arg5[%swap3A_45] {strides = array<i32>} : memref<2560xi32, #tpu.memory_space<vmem>>, vector<16xi32>,
        tpu.vector_store %arg5[%swap3A_45], %broadcast_in_dim3A_13 {strides = array<i32>} : memref<2560xi32, #tpu.memory_space<vmem>>, vector<16xi32>,
        %swap3A_47 = arith.constant 2320 : index
        %swap3A_48 = tpu.vector_load %arg5[%swap3A_47] {strides = array<i32>} : memref<2560xi32, #tpu.memory_space<vmem>>, vector<16xi32>,
        tpu.vector_store %arg5[%swap3A_47], %broadcast_in_dim3A_13 {strides = array<i32>} : memref<2560xi32, #tpu.memory_space<vmem>>, vector<16xi32>,
        %swap3A_49 = arith.constant 2336 : index
        %swap3A_50 = tpu.vector_load %arg5[%swap3A_49] {strides = array<i32>} : memref<2560xi32, #tpu.memory_space<vmem>>, vector<16xi32>,
        tpu.vector_store %arg5[%swap3A_49], %broadcast_in_dim3A_13 {strides = array<i32>} : memref<2560xi32, #tpu.memory_space<vmem>>, vector<16xi32>,
        %swap3A_51 = arith.constant 2352 : index
        %swap3A_52 = tpu.vector_load %arg5[%swap3A_51] {strides = array<i32>} : memref<2560xi32, #tpu.memory_space<vmem>>, vector<16xi32>,
        tpu.vector_store %arg5[%swap3A_51], %broadcast_in_dim3A_13 {strides = array<i32>} : memref<2560xi32, #tpu.memory_space<vmem>>, vector<16xi32>,
        %swap3A_53 = arith.constant 2368 : index
        %swap3A_54 = tpu.vector_load %arg5[%swap3A_53] {strides = array<i32>} : memref<2560xi32, #tpu.memory_space<vmem>>, vector<16xi32>,
        tpu.vector_store %arg5[%swap3A_53], %broadcast_in_dim3A_13 {strides = array<i32>} : memref<2560xi32, #tpu.memory_space<vmem>>, vector<16xi32>,
        %swap3A_55 = arith.constant 2384 : index
        %swap3A_56 = tpu.vector_load %arg5[%swap3A_55] {strides = array<i32>} : memref<2560xi32, #tpu.memory_space<vmem>>, vector<16xi32>,
        tpu.vector_store %arg5[%swap3A_55], %broadcast_in_dim3A_13 {strides = array<i32>} : memref<2560xi32, #tpu.memory_space<vmem>>, vector<16xi32>,
        %swap3A_57 = arith.constant 2400 : index
        %swap3A_58 = tpu.vector_load %arg5[%swap3A_57] {strides = array<i32>} : memref<2560xi32, #tpu.memory_space<vmem>>, vector<16xi32>,
        tpu.vector_store %arg5[%swap3A_57], %broadcast_in_dim3A_13 {strides = array<i32>} : memref<2560xi32, #tpu.memory_space<vmem>>, vector<16xi32>,
        %swap3A_59 = arith.constant 2416 : index
        %swap3A_60 = tpu.vector_load %arg5[%swap3A_59] {strides = array<i32>} : memref<2560xi32, #tpu.memory_space<vmem>>, vector<16xi32>,
        tpu.vector_store %arg5[%swap3A_59], %broadcast_in_dim3A_13 {strides = array<i32>} : memref<2560xi32, #tpu.memory_space<vmem>>, vector<16xi32>,
        %swap3A_61 = arith.constant 2432 : index
        %swap3A_62 = tpu.vector_load %arg5[%swap3A_61] {strides = array<i32>} : memref<2560xi32, #tpu.memory_space<vmem>>, vector<16xi32>,
        tpu.vector_store %arg5[%swap3A_61], %broadcast_in_dim3A_13 {strides = array<i32>} : memref<2560xi32, #tpu.memory_space<vmem>>, vector<16xi32>,
        %swap3A_63 = arith.constant 2448 : index
        %swap3A_64 = tpu.vector_load %arg5[%swap3A_63] {strides = array<i32>} : memref<2560xi32, #tpu.memory_space<vmem>>, vector<16xi32>,
        tpu.vector_store %arg5[%swap3A_63], %broadcast_in_dim3A_13 {strides = array<i32>} : memref<2560xi32, #tpu.memory_space<vmem>>, vector<16xi32>,
        %swap3A_65 = arith.constant 2464 : index
        %swap3A_66 = tpu.vector_load %arg5[%swap3A_65] {strides = array<i32>} : memref<2560xi32, #tpu.memory_space<vmem>>, vector<16xi32>,
        tpu.vector_store %arg5[%swap3A_65], %broadcast_in_dim3A_13 {strides = array<i32>} : memref<2560xi32, #tpu.memory_space<vmem>>, vector<16xi32>,
        %swap3A_67 = arith.constant 2480 : index
        %swap3A_68 = tpu.vector_load %arg5[%swap3A_67] {strides = array<i32>} : memref<2560xi32, #tpu.memory_space<vmem>>, vector<16xi32>,
        tpu.vector_store %arg5[%swap3A_67], %broadcast_in_dim3A_13 {strides = array<i32>} : memref<2560xi32, #tpu.memory_space<vmem>>, vector<16xi32>,
        %swap3A_69 = arith.constant 2496 : index
        %swap3A_70 = tpu.vector_load %arg5[%swap3A_69] {strides = array<i32>} : memref<2560xi32, #tpu.memory_space<vmem>>, vector<16xi32>,
        tpu.vector_store %arg5[%swap3A_69], %broadcast_in_dim3A_13 {strides = array<i32>} : memref<2560xi32, #tpu.memory_space<vmem>>, vector<16xi32>,
        %swap3A_71 = arith.constant 2512 : index
        %swap3A_72 = tpu.vector_load %arg5[%swap3A_71] {strides = array<i32>} : memref<2560xi32, #tpu.memory_space<vmem>>, vector<16xi32>,
        tpu.vector_store %arg5[%swap3A_71], %broadcast_in_dim3A_13 {strides = array<i32>} : memref<2560xi32, #tpu.memory_space<vmem>>, vector<16xi32>,
        %swap3A_73 = arith.constant 2528 : index
        %swap3A_74 = tpu.vector_load %arg5[%swap3A_73] {strides = array<i32>} : memref<2560xi32, #tpu.memory_space<vmem>>, vector<16xi32>,
        tpu.vector_store %arg5[%swap3A_73], %broadcast_in_dim3A_13 {strides = array<i32>} : memref<2560xi32, #tpu.memory_space<vmem>>, vector<16xi32>,
        %swap3A_75 = arith.constant 2544 : index
        %swap3A_76 = tpu.vector_load %arg5[%swap3A_75] {strides = array<i32>} : memref<2560xi32, #tpu.memory_space<vmem>>, vector<16xi32>,
        tpu.vector_store %arg5[%swap3A_75], %broadcast_in_dim3A_13 {strides = array<i32>} : memref<2560xi32, #tpu.memory_space<vmem>>, vector<16xi32>,
        tpu.wait_dma2 semaphore(%run_scoped3A : memref<!tpu.dma_semaphore, #tpu.memory_space<semaphore_mem>>) src(%arg3 : memref<16xi32, #tpu.memory_space<hbm>>) dst(%arg6 : memref<16xi32, #tpu.memory_space<vmem>>)
        %iota3A = tpu.iota {dimensions = array<i32: 0>} : vector<16xi32>
        %get3A = arith.constant 0 : index
        %get3A_77 = tpu.vector_load %arg6[%get3A] {strides = array<i32>} : memref<16xi32, #tpu.memory_space<vmem>>, vector<16xi32>,
        %add3A_78 = arith.constant 2048 : i32
        %add3A_79 = vector.broadcast %add3A_78 : i32 to vector<16xi32>
        %add3A_80 = arith.addi %get3A_77, %add3A_79 : vector<16xi32>
        %broadcast_in_dim3A_81 = arith.constant 1 : i32
        %broadcast_in_dim3A_82 = vector.broadcast %broadcast_in_dim3A_81 : i32 to vector<16xi32>
        %eq3A = arith.constant 0 : i32
        %eq3A_83 = vector.broadcast %eq3A : i32 to vector<16xi32>
        %eq3A_84 = arith.cmpi eq, %iota3A, %eq3A_83 : vector<16xi32>
        tpu.vector_store_idx %arg5[%add3A_80], %broadcast_in_dim3A_82 masked %eq3A_84 : memref<2560xi32, #tpu.memory_space<vmem>>[vector<16xi32>], vector<16xi32>, vector<16xi1>
        %dma_wait3A = arith.constant 0 : i32
        %dma_wait3A_85 = tpu.memref_slice %arg5[%dma_wait3A] : memref<2560xi32, #tpu.memory_space<vmem>> -> memref<2048xi32, #tpu.memory_space<vmem>>
        %dma_wait3A_86 = arith.constant 0 : i32
        %dma_wait3A_87 = tpu.memref_slice %arg2[%add3A, %dma_wait3A_86] : memref<8x2048xi32, #tpu.memory_space<hbm>> -> memref<1x2048xi32, #tpu.memory_space<hbm>>
        %dma_wait3A_88 = tpu.memref_squeeze %dma_wait3A_87 : memref<1x2048xi32, #tpu.memory_space<hbm>> -> memref<2048xi32, #tpu.memory_space<hbm>>
        %dma_wait3A_89 = arith.constant 0 : i32
        %dma_wait3A_90 = tpu.memref_slice %arg5[%dma_wait3A_89] : memref<2560xi32, #tpu.memory_space<vmem>> -> memref<2048xi32, #tpu.memory_space<vmem>>
        %dma_wait3A_91 = arith.constant 0 : i32
        %dma_wait3A_92 = tpu.memref_slice %arg2[%add3A, %dma_wait3A_91] : memref<8x2048xi32, #tpu.memory_space<hbm>> -> memref<1x2048xi32, #tpu.memory_space<hbm>>
        %dma_wait3A_93 = tpu.memref_squeeze %dma_wait3A_92 : memref<1x2048xi32, #tpu.memory_space<hbm>> -> memref<2048xi32, #tpu.memory_space<hbm>>
        tpu.wait_dma2 semaphore(%run_scoped3A_3 : memref<!tpu.dma_semaphore, #tpu.memory_space<semaphore_mem>>) src(%dma_wait3A_93 : memref<2048xi32, #tpu.memory_space<hbm>>) dst(%dma_wait3A_90 : memref<2048xi32, #tpu.memory_space<vmem>>)
        "tpu.region"() ({
          %run_scoped3A_94 = tpu.sem_alloc : memref<!tpu.dma_semaphore, #tpu.memory_space<semaphore_mem>>
          %dma_start3A_95 = arith.constant 0 : i32
          %dma_start3A_96 = tpu.memref_slice %arg4[%add3A, %dma_start3A_95] : memref<8x2560xi32, #tpu.memory_space<hbm>> -> memref<1x2560xi32, #tpu.memory_space<hbm>>
          %dma_start3A_97 = tpu.memref_squeeze %dma_start3A_96 : memref<1x2560xi32, #tpu.memory_space<hbm>> -> memref<2560xi32, #tpu.memory_space<hbm>>
          %dma_start3A_98 = arith.constant 0 : i32
          %dma_start3A_99 = tpu.memref_slice %arg4[%add3A, %dma_start3A_98] : memref<8x2560xi32, #tpu.memory_space<hbm>> -> memref<1x2560xi32, #tpu.memory_space<hbm>>
          %dma_start3A_100 = tpu.memref_squeeze %dma_start3A_99 : memref<1x2560xi32, #tpu.memory_space<hbm>> -> memref<2560xi32, #tpu.memory_space<hbm>>
          tpu.enqueue_dma source(%arg5 : memref<2560xi32, #tpu.memory_space<vmem>>) target(%dma_start3A_100 : memref<2560xi32, #tpu.memory_space<hbm>>) target_semaphore(%run_scoped3A_94 : memref<!tpu.dma_semaphore, #tpu.memory_space<semaphore_mem>>)
          %dma_wait3A_101 = arith.constant 0 : i32
          %dma_wait3A_102 = tpu.memref_slice %arg4[%add3A, %dma_wait3A_101] : memref<8x2560xi32, #tpu.memory_space<hbm>> -> memref<1x2560xi32, #tpu.memory_space<hbm>>
          %dma_wait3A_103 = tpu.memref_squeeze %dma_wait3A_102 : memref<1x2560xi32, #tpu.memory_space<hbm>> -> memref<2560xi32, #tpu.memory_space<hbm>>
          %dma_wait3A_104 = arith.constant 0 : i32
          %dma_wait3A_105 = tpu.memref_slice %arg4[%add3A, %dma_wait3A_104] : memref<8x2560xi32, #tpu.memory_space<hbm>> -> memref<1x2560xi32, #tpu.memory_space<hbm>>
          %dma_wait3A_106 = tpu.memref_squeeze %dma_wait3A_105 : memref<1x2560xi32, #tpu.memory_space<hbm>> -> memref<2560xi32, #tpu.memory_space<hbm>>
          tpu.wait_dma2 semaphore(%run_scoped3A_94 : memref<!tpu.dma_semaphore, #tpu.memory_space<semaphore_mem>>) src(%arg5 : memref<2560xi32, #tpu.memory_space<vmem>>) dst(%dma_wait3A_106 : memref<2560xi32, #tpu.memory_space<hbm>>)
          tpu.yield
        }) : () -> ()
        tpu.yield
      }) : () -> ()
    } else {
    }
    return
  }
}

module attributes {stable_mosaic.version = 14 : i64} {
  func.func @_kv_body(%arg0: i32, %arg1: i32, %arg2: memref<1xi32, #tpu.memory_space<smem>>, %arg3: memref<2x512x8x128xf32, #tpu.memory_space<vmem>>, %arg4: memref<2x512x8x128xf32, #tpu.memory_space<vmem>>, %arg5: memref<2x1x8x128xf32, #tpu.memory_space<vmem>>, %arg6: memref<2x1x8x128xf32, #tpu.memory_space<vmem>>, %arg7: memref<2x2x512x8x128xf32, #tpu.memory_space<vmem>>) attributes {dimension_semantics = [#tpu.dimension_semantics<arbitrary>, #tpu.dimension_semantics<arbitrary>], iteration_bounds = array<i64: 4, 5>, scalar_prefetch = 1 : i64, scratch_operands = 0 : i64, tpu.core_type = #tpu.core_type<tc>, window_params = [{transform_indices = @transform_0, window_bounds = array<i64: 2, 512, 8, 128>}, {transform_indices = @transform_1, window_bounds = array<i64: 2, 512, 8, 128>}, {transform_indices = @transform_2, window_bounds = array<i64: 2, 1, 8, 128>}, {transform_indices = @transform_3, window_bounds = array<i64: 2, 1, 8, 128>}, {transform_indices = @transform_4, window_bounds = array<i64: 2, 2, 512, 8, 128>}]} {
    %lt3A = arith.constant 4 : i32
    %lt3A_0 = arith.cmpi slt, %arg1, %lt3A : i32
    %convert_element_type3A = arith.extui %lt3A_0 : i1 to i32
    %cond3A = arith.constant 0 : i32
    %cond3A_1 = arith.cmpi ne, %convert_element_type3A, %cond3A : i32
    scf.if %cond3A_1 {
      %get3A = arith.constant 0 : index
      %get3A_6 = arith.constant 0 : index
      %get3A_7 = arith.constant 0 : index
      %get3A_8 = arith.constant 0 : index
      %get3A_9 = vector.load %arg3[%get3A, %get3A_6, %get3A_7, %get3A_8] : memref<2x512x8x128xf32, #tpu.memory_space<vmem>>, vector<2x512x8x128xf32>
      %swap3A = arith.constant 0 : index
      %swap3A_10 = arith.constant 0 : index
      %swap3A_11 = arith.constant 0 : index
      %swap3A_12 = arith.constant 0 : index
      %swap3A_13 = arith.constant 0 : index
      %swap3A_14 = vector.load %arg7[%swap3A, %swap3A_10, %swap3A_11, %swap3A_12, %swap3A_13] : memref<2x2x512x8x128xf32, #tpu.memory_space<vmem>>, vector<1x2x512x8x128xf32>
      %swap3A_15 = vector.shape_cast %swap3A_14 : vector<1x2x512x8x128xf32> to vector<2x512x8x128xf32>
      %swap3A_16 = vector.shape_cast %get3A_9 : vector<2x512x8x128xf32> to vector<1x2x512x8x128xf32>
      tpu.vector_store %arg7[%swap3A, %swap3A_10, %swap3A_11, %swap3A_12, %swap3A_13], %swap3A_16 {strides = array<i32>} : memref<2x2x512x8x128xf32, #tpu.memory_space<vmem>>, vector<1x2x512x8x128xf32>,
      %get3A_17 = arith.constant 0 : index
      %get3A_18 = arith.constant 0 : index
      %get3A_19 = arith.constant 0 : index
      %get3A_20 = arith.constant 0 : index
      %get3A_21 = vector.load %arg4[%get3A_17, %get3A_18, %get3A_19, %get3A_20] : memref<2x512x8x128xf32, #tpu.memory_space<vmem>>, vector<2x512x8x128xf32>
      %swap3A_22 = arith.constant 1 : index
      %swap3A_23 = arith.constant 0 : index
      %swap3A_24 = arith.constant 0 : index
      %swap3A_25 = arith.constant 0 : index
      %swap3A_26 = arith.constant 0 : index
      %swap3A_27 = vector.load %arg7[%swap3A_22, %swap3A_23, %swap3A_24, %swap3A_25, %swap3A_26] : memref<2x2x512x8x128xf32, #tpu.memory_space<vmem>>, vector<1x2x512x8x128xf32>
      %swap3A_28 = vector.shape_cast %swap3A_27 : vector<1x2x512x8x128xf32> to vector<2x512x8x128xf32>
      %swap3A_29 = vector.shape_cast %get3A_21 : vector<2x512x8x128xf32> to vector<1x2x512x8x128xf32>
      tpu.vector_store %arg7[%swap3A_22, %swap3A_23, %swap3A_24, %swap3A_25, %swap3A_26], %swap3A_29 {strides = array<i32>} : memref<2x2x512x8x128xf32, #tpu.memory_space<vmem>>, vector<1x2x512x8x128xf32>,
    } else {
    }
    %ge3A = arith.constant 4 : i32
    %ge3A_2 = arith.cmpi sge, %arg1, %ge3A : i32
    %convert_element_type3A_3 = arith.extui %ge3A_2 : i1 to i32
    %cond3A_4 = arith.constant 0 : i32
    %cond3A_5 = arith.cmpi ne, %convert_element_type3A_3, %cond3A_4 : i32
    scf.if %cond3A_5 {
      %get3A = arith.constant 0 : index
      %get3A_6 = memref.load %arg2[%get3A] : memref<1xi32, #tpu.memory_space<smem>>
      %sub3A = arith.constant 4 : i32
      %sub3A_7 = arith.subi %arg1, %sub3A : i32
      %mul3A = arith.constant 512 : i32
      %mul3A_8 = arith.muli %sub3A_7, %mul3A : i32
      %sub3A_9 = arith.subi %get3A_6, %mul3A_8 : i32
      %iota3A = tpu.iota {dimensions = array<i32: 1>} : vector<1x512x1x1xi32>
      %eq3A = vector.broadcast %sub3A_9 : i32 to vector<1x512x1x1xi32>
      %eq3A_10 = arith.cmpi eq, %iota3A, %eq3A : vector<1x512x1x1xi32>
      %get3A_11 = arith.constant 0 : index
      %get3A_12 = arith.constant 0 : index
      %get3A_13 = arith.constant 0 : index
      %get3A_14 = arith.constant 0 : index
      %get3A_15 = vector.load %arg5[%get3A_11, %get3A_12, %get3A_13, %get3A_14] : memref<2x1x8x128xf32, #tpu.memory_space<vmem>>, vector<2x1x8x128xf32>
      %jit3A = arith.constant 0.000000e+00 : f32
      %broadcast_in_dim3A = vector.shape_cast %eq3A_10 : vector<1x512x1x1xi1> to vector<1x512x1x1xi1>
      %broadcast_in_dim3A_16 = vector.broadcast %broadcast_in_dim3A : vector<1x512x1x1xi1> to vector<2x512x8x128xi1>
      %broadcast_in_dim3A_17 = vector.shape_cast %get3A_15 : vector<2x1x8x128xf32> to vector<2x1x8x128xf32>
      %broadcast_in_dim3A_18 = vector.broadcast %broadcast_in_dim3A_17 : vector<2x1x8x128xf32> to vector<2x512x8x128xf32>
      %broadcast_in_dim3A_19 = vector.broadcast %jit3A : f32 to vector<2x512x8x128xf32>
      %select_n3A = arith.select %broadcast_in_dim3A_16, %broadcast_in_dim3A_18, %broadcast_in_dim3A_19 : vector<2x512x8x128xi1>, vector<2x512x8x128xf32>
      %swap3A = arith.constant 0 : index
      %swap3A_20 = arith.constant 0 : index
      %swap3A_21 = arith.constant 0 : index
      %swap3A_22 = arith.constant 0 : index
      %swap3A_23 = arith.constant 0 : index
      %swap3A_24 = vector.load %arg7[%swap3A, %swap3A_20, %swap3A_21, %swap3A_22, %swap3A_23] : memref<2x2x512x8x128xf32, #tpu.memory_space<vmem>>, vector<1x2x512x8x128xf32>
      %swap3A_25 = vector.shape_cast %swap3A_24 : vector<1x2x512x8x128xf32> to vector<2x512x8x128xf32>
      %swap3A_26 = vector.shape_cast %select_n3A : vector<2x512x8x128xf32> to vector<1x2x512x8x128xf32>
      tpu.vector_store %arg7[%swap3A, %swap3A_20, %swap3A_21, %swap3A_22, %swap3A_23], %swap3A_26 {strides = array<i32>} : memref<2x2x512x8x128xf32, #tpu.memory_space<vmem>>, vector<1x2x512x8x128xf32>,
      %get3A_27 = arith.constant 0 : index
      %get3A_28 = arith.constant 0 : index
      %get3A_29 = arith.constant 0 : index
      %get3A_30 = arith.constant 0 : index
      %get3A_31 = vector.load %arg6[%get3A_27, %get3A_28, %get3A_29, %get3A_30] : memref<2x1x8x128xf32, #tpu.memory_space<vmem>>, vector<2x1x8x128xf32>
      %jit3A_32 = arith.constant 0.000000e+00 : f32
      %broadcast_in_dim3A_33 = vector.shape_cast %eq3A_10 : vector<1x512x1x1xi1> to vector<1x512x1x1xi1>
      %broadcast_in_dim3A_34 = vector.broadcast %broadcast_in_dim3A_33 : vector<1x512x1x1xi1> to vector<2x512x8x128xi1>
      %broadcast_in_dim3A_35 = vector.shape_cast %get3A_31 : vector<2x1x8x128xf32> to vector<2x1x8x128xf32>
      %broadcast_in_dim3A_36 = vector.broadcast %broadcast_in_dim3A_35 : vector<2x1x8x128xf32> to vector<2x512x8x128xf32>
      %broadcast_in_dim3A_37 = vector.broadcast %jit3A_32 : f32 to vector<2x512x8x128xf32>
      %select_n3A_38 = arith.select %broadcast_in_dim3A_34, %broadcast_in_dim3A_36, %broadcast_in_dim3A_37 : vector<2x512x8x128xi1>, vector<2x512x8x128xf32>
      %swap3A_39 = arith.constant 1 : index
      %swap3A_40 = arith.constant 0 : index
      %swap3A_41 = arith.constant 0 : index
      %swap3A_42 = arith.constant 0 : index
      %swap3A_43 = arith.constant 0 : index
      %swap3A_44 = vector.load %arg7[%swap3A_39, %swap3A_40, %swap3A_41, %swap3A_42, %swap3A_43] : memref<2x2x512x8x128xf32, #tpu.memory_space<vmem>>, vector<1x2x512x8x128xf32>
      %swap3A_45 = vector.shape_cast %swap3A_44 : vector<1x2x512x8x128xf32> to vector<2x512x8x128xf32>
      %swap3A_46 = vector.shape_cast %select_n3A_38 : vector<2x512x8x128xf32> to vector<1x2x512x8x128xf32>
      tpu.vector_store %arg7[%swap3A_39, %swap3A_40, %swap3A_41, %swap3A_42, %swap3A_43], %swap3A_46 {strides = array<i32>} : memref<2x2x512x8x128xf32, #tpu.memory_space<vmem>>, vector<1x2x512x8x128xf32>,
    } else {
    }
    return
  }
  func.func @transform_0(%arg0: i32, %arg1: i32, %arg2: memref<1xi32, #tpu.memory_space<smem>>) -> (i32, i32, i32, i32) {
    %min3A = arith.constant 3 : i32
    %min3A_0 = arith.minsi %arg1, %min3A : i32
    %c0_i32 = arith.constant 0 : i32
    %c0_i32_1 = arith.constant 0 : i32
    %c0_i32_2 = arith.constant 0 : i32
    return %arg0, %min3A_0, %c0_i32, %c0_i32_1 : i32, i32, i32, i32
  }
  func.func @transform_1(%arg0: i32, %arg1: i32, %arg2: memref<1xi32, #tpu.memory_space<smem>>) -> (i32, i32, i32, i32) {
    %min3A = arith.constant 3 : i32
    %min3A_0 = arith.minsi %arg1, %min3A : i32
    %c0_i32 = arith.constant 0 : i32
    %c0_i32_1 = arith.constant 0 : i32
    %c0_i32_2 = arith.constant 0 : i32
    return %arg0, %min3A_0, %c0_i32, %c0_i32_1 : i32, i32, i32, i32
  }
  func.func @transform_2(%arg0: i32, %arg1: i32, %arg2: memref<1xi32, #tpu.memory_space<smem>>) -> (i32, i32, i32, i32) {
    %c0_i32 = arith.constant 0 : i32
    %c0_i32_0 = arith.constant 0 : i32
    %c0_i32_1 = arith.constant 0 : i32
    %c0_i32_2 = arith.constant 0 : i32
    return %arg0, %c0_i32, %c0_i32_0, %c0_i32_1 : i32, i32, i32, i32
  }
  func.func @transform_3(%arg0: i32, %arg1: i32, %arg2: memref<1xi32, #tpu.memory_space<smem>>) -> (i32, i32, i32, i32) {
    %c0_i32 = arith.constant 0 : i32
    %c0_i32_0 = arith.constant 0 : i32
    %c0_i32_1 = arith.constant 0 : i32
    %c0_i32_2 = arith.constant 0 : i32
    return %arg0, %c0_i32, %c0_i32_0, %c0_i32_1 : i32, i32, i32, i32
  }
  func.func @transform_4(%arg0: i32, %arg1: i32, %arg2: memref<1xi32, #tpu.memory_space<smem>>) -> (i32, i32, i32, i32, i32) {
    %c0_i32 = arith.constant 0 : i32
    %c0_i32_0 = arith.constant 0 : i32
    %c0_i32_1 = arith.constant 0 : i32
    %c0_i32_2 = arith.constant 0 : i32
    return %c0_i32, %arg0, %arg1, %c0_i32_0, %c0_i32_1 : i32, i32, i32, i32, i32
  }
}

</mosaic_0001>

<sc_bundles>
// kernel: kernel.4.cloned.1.call-start
scs
__scs_entry_jumppad:
0x0: {  	(pc) =	sbr.rel $0x88, $3  }
0x1: {  	(tag) =	ssettag $0x0;
	lr =	simm.s32 $0x1  }
0x2: {  	[smem:$0x3F9B] =	sst lr;
	_ =	strace $0xD0000000  }
0x3: {  	_ = 	snop  }
0x4: {  	_ = 	snop  }
0x5: {  	_ = 	snop  }
0x6: {  	_ = 	snop  }
0x7: {  	_ = 	snop  }
__scs_overlays_trampoline_lowered:
0x8: {  	[smem:$0x3FAA] =	sst s0  }
0x9: {  	[smem:$0x3FAB] =	sst s1  }
0xa: {  	[smem:$0x3FAC] =	sst s2  }
0xb: {  	[smem:$0x3FAD] =	sst s3  }
0xc: {  	[smem:$0x3FAE] =	sst s4  }
0xd: {  	[smem:$0x3FAF] =	sst s5  }
0xe: {  	[smem:$0x3FB0] =	sst s6  }
0xf: {  	[smem:$0x3FB1] =	sst s7  }
0x10: {  	[smem:$0x3FB2] =	sst s8  }
0x11: {  	[smem:$0x3FB3] =	sst s9;
	s0 =	simm.s32 @!p0 $0x0  }
0x12: {  	s1 =	sld [smem:$0x3F99];
	s0 =	simm.s32 @p0 $0x1  }
0x13: {  	[smem:$0x3FB4] =	sst s0;
	s0 =	simm.s32 @!p1 $0x0  }
0x14: {  	s2 =	sld [smem:$0x3F98];
	s0 =	simm.s32 @p1 $0x1  }
0x15: {  	[smem:$0x3FB5] =	sst s0;
	s0 =	simm.s32 @!p2 $0x0  }
0x16: {  	s3 =	sld [smem:$0x3FDB];
	s0 =	simm.s32 @p2 $0x1  }
0x17: {  	s4 =	simm.s32 $0x1BF5;
	[smem:$0x3FB7] =	sst s0  }
0x18: {  	s0 =	sld [smem:$0x3F9A];
	_ =	swait.ge [sflag:s4], $0x0  }
0x19: {  	s7 =	sld [smem:$0x3F9B]  }
0x1a: {  	s8 =	sadd.s32 $0xFFFFE003, lr  }
0x1b: {  	s9 =	sadd.s32 $0xFFFFFEF7, lr;
	s5 =	simm.s32 $0xFFFFFFFF;
	p2 =	slt.u32 s8, $0xFFFFF086  }
0x1c: {  	p1 =	slt.u32 s9, $0xF7A;
	s5 =	simm.s32 @!p2 $0x0  }
0x1d: {  	s5 =	simm.s32 @p1 $0x1;
	p0 =	seq.s32 s7, s2  }
0x1e: {  	s7 =	smul.u32 @!p0 $0xF7A, s2;
	p2 =	seq.s32 @!p0 s5, $0x0  }
0x1f: {  	s9 =	smul.u32 $0xF7A, s1;
	s8 =	simm.s32 @!p0 $0x1BF5;
	p2 =	por !p2, p0  }
0x20: {  	[sflag:s8] =	ssyncset.s32 @!p0 $0xFFFFF086;
	s6 =	sadd.s32 @!p0 s3, s7;
	s7 =	simm.s32 @!p0 $0x108  }
0x21: {  	s3 =	sadd.s32 s3, s9;
	s6 =	sadd.s32 @!p0 $0x88, s6;
	s7 =	simm.s32 @p2 $0x1082  }
0x22: {  	[simem:s7], [sflag:s8] =	dma.local @!p0 [hbm:s6], $0xF7A  }
0x23: {  	s9 =	sor.u32 $0xD0000000, s2;
	s6 =	simm.s32 $0x108;
	_ =	swait.ge @!p0 [sflag:s8], $0x0  }
0x24: {  	s3 =	sadd.s32 $0x88, s3;
	s6 =	simm.s32 @!p1 $0x1082;
	[sflag:s4] =	ssyncset.s32 $0xFFFFF086  }
0x25: {  	[simem:s6], [sflag:s4] =	dma.local [hbm:s3], $0xF7A  }
0x26: {  	[smem:$0x3F9B] =	sst s1;
	(tag) =	ssettag s2;
	_ =	strace s9  }
0x27: {  	s1 =	sld [smem:$0x3FAB]  }
0x28: {  	s2 =	sld [smem:$0x3FAC]  }
0x29: {  	s4 =	sld [smem:$0x3FAE]  }
0x2a: {  	p0 =	seq.s32 s5, $0x0;
	s5 =	sld [smem:$0x3FAF]  }
0x2b: {  	s6 =	sld [smem:$0x3FB0]  }
0x2c: {  	s7 =	sld [smem:$0x3FB1]  }
0x2d: {  	s3 =	simm.s32 $0x108;
	s8 =	sld [smem:$0x3FB2]  }
0x2e: {  	s3 =	simm.s32 @!p0 $0x1082;
	s9 =	sld [smem:$0x3FB3]  }
0x2f: {  	lr =	sadd.s32 s0, s3;
	s0 =	sld [smem:$0x3FAA]  }
0x30: {  	s3 =	sld [smem:$0x3FAD]  }
0x31: {  	[smem:$0x3FB6] =	sst s10  }
0x32: {  	s10 =	sld [smem:$0x3FB4];
	_ =	sdelay $0x3  }
0x33: {  	p0 =	seq.s32 s10, $0x1;
	s10 =	sld [smem:$0x3FB6];
	_ =	sdelay $0x3  }
0x34: {  	[smem:$0x3FB6] =	sst s10  }
0x35: {  	s10 =	sld [smem:$0x3FB5];
	_ =	sdelay $0x3  }
0x36: {  	p1 =	seq.s32 s10, $0x1;
	s10 =	sld [smem:$0x3FB6];
	_ =	sdelay $0x3  }
0x37: {  	[smem:$0x3FB6] =	sst s10  }
0x38: {  	s10 =	sld [smem:$0x3FB7]  }
0x39: {  	_ = 	snop;
	(pc) =	sbr.ind lr, $3  }
0x3a: {  	_ = 	snop  }
0x3b: {  	_ = 	snop  }
0x3c: {  	p2 =	seq.s32 s10, $0x1;
	s10 =	sld [smem:$0x3FB6]  }
0x3d: {  	_ =	shalt  }
0x3e: {  	_ =	shalt  }
0x3f: {  	_ =	shalt  }
0x40: {  	_ =	shalt  }
0x41: {  	_ =	shalt  }
0x42: {  	_ =	shalt  }
0x43: {  	_ =	shalt  }
0x44: {  	_ =	shalt  }
0x45: {  	_ =	shalt  }
0x46: {  	_ =	shalt  }
0x47: {  	_ =	shalt  }
0x48: {  	_ =	shalt  }
0x49: {  	_ =	shalt  }
0x4a: {  	_ =	shalt  }
0x4b: {  	_ =	shalt  }
0x4c: {  	_ =	shalt  }
0x4d: {  	_ =	shalt  }
0x4e: {  	_ =	shalt  }
0x4f: {  	_ =	shalt  }
0x50: {  	_ =	shalt  }
0x51: {  	_ =	shalt  }
0x52: {  	_ =	shalt  }
0x53: {  	_ =	shalt  }
0x54: {  	_ =	shalt  }
0x55: {  	_ =	shalt  }
0x56: {  	_ =	shalt  }
0x57: {  	_ =	shalt  }
0x58: {  	_ =	shalt  }
0x59: {  	_ =	shalt  }
0x5a: {  	_ =	shalt  }
0x5b: {  	_ =	shalt  }
0x5c: {  	_ =	shalt  }
0x5d: {  	_ =	shalt  }
0x5e: {  	_ =	shalt  }
0x5f: {  	_ =	shalt  }
0x60: {  	_ =	shalt  }
0x61: {  	_ =	shalt  }
0x62: {  	_ =	shalt  }
0x63: {  	_ =	shalt  }
0x64: {  	_ =	shalt  }
0x65: {  	_ =	shalt  }
0x66: {  	_ =	shalt  }
0x67: {  	_ =	shalt  }
0x68: {  	_ =	shalt  }
0x69: {  	_ =	shalt  }
0x6a: {  	_ =	shalt  }
0x6b: {  	_ =	shalt  }
0x6c: {  	_ =	shalt  }
0x6d: {  	_ =	shalt  }
0x6e: {  	_ =	shalt  }
0x6f: {  	_ =	shalt  }
0x70: {  	_ =	shalt  }
0x71: {  	_ =	shalt  }
0x72: {  	_ =	shalt  }
0x73: {  	_ =	shalt  }
0x74: {  	_ =	shalt  }
0x75: {  	_ =	shalt  }
0x76: {  	_ =	shalt  }
0x77: {  	_ =	shalt  }
0x78: {  	_ =	shalt  }
0x79: {  	_ =	shalt  }
0x7a: {  	_ =	shalt  }
0x7b: {  	_ =	shalt  }
0x7c: {  	_ =	shalt  }
0x7d: {  	_ =	shalt  }
0x7e: {  	_ =	shalt  }
0x7f: {  	_ =	shalt  }
0x80: {  	_ =	shalt  }
0x81: {  	_ =	shalt  }
0x82: {  	_ =	shalt  }
0x83: {  	_ =	shalt  }
0x84: {  	_ =	shalt  }
0x85: {  	_ =	shalt  }
0x86: {  	_ =	shalt  }
0x87: {  	_ =	shalt  }
.Lfunc_end0:
.L_simem_size_0:
called_computation_lowered:
.L_overlay_start_0:
0x88: {  	s2 =	sld [smem:$0x3FD9]  }
0x89: {  	s3 =	sld [smem:$0x3FFE];
	_ =	sdelay $0x1  }
0x8a: {  	s1 =	srdreg.scid  }
0x8b: {  	s0 =	sand.u32 $0x1, s1  }
0x8c: {  	s14 =	sshll.u32 s0, $0xA;
	s2 =	sadd.s32 s3, s2  }
0x8d: {  	s2 =	sadd.s32 s2, s14  }
0x8e: {  	[smem:$0x3FC2] =	sst s2  }
0x8f: {  	_ = 	snop  }
0x90: {  	s2 =	sld [smem:$0x3FD0];
	_ =	sdelay $0x2  }
0x91: {  	s4 =	simm.s32 $0xA;
	s5 =	simm.s32 $0x10;
	s15 =	sld [smem:$0x3FC7]  }
0x92: {  	[smem:s5], [sflag:s4] =	dma.local [hbm:s2], $0x1  }
0x93: {  	_ =	swait.eq [sflag:s4], $0x1  }
0x94: {  	[sflag:s4] =	ssyncset.done $0x0  }
0x95: {  	[sflag:s4] =	ssyncadd.s32 $0xFFFFFFFF  }
0x96: {  	s16 =	sld [smem:$0x11];
	(tm) =	ssettm $0x1  }
0x97: {  	s17 =	sld [smem:$0x3FFB];
	_ =	sdelay $0x3  }
0x98: {  	_ =	strace s17  }
0x99: {  	s4 =	sld [smem:$0x3FFC];
	_ =	sdelay $0x3  }
0x9a: {  	_ =	strace s4  }
0x9b: {  	s4 =	sld [smem:$0x3FFD];
	_ =	sdelay $0x3  }
0x9c: {  	_ =	strace s4  }
0x9d: {  	_ =	strace $0x8FFFFFFF  }
0x9e: {  	s18 =	sld [smem:$0x3FDB];
	_ =	sdelay $0x1  }
0x9f: {  	s19 =	simm.s32 $_scs_section_size  }
0xa0: {  	s6 =	simm.s32 $_size__tile_overlayer_lowered;
	s7 =	simm.s32 $_tile_overlayer_lowered  }
0xa1: {  	s22 =	simm.s32 $0x1BFF;
	s21 =	sshll.u32 s7, $0x1;
	s4 =	sadd.s32 s19, s18  }
0xa2: {  	s8 =	simm.s32 $0x0;
	s20 =	sshll.u32 s6, $0x1;
	s6 =	sadd.s32 s21, s4  }
0xa3: {  	[timem:s8], [sflag:s22] =	dma.local [hbm:s6], s20  }
0xa4: {  	_ =	swait.ge [sflag:s22], s20  }
0xa5: {  	s5 =	ssub.s32 $0x0, s20;
	[sflag:s22] =	ssyncset.done $0x0  }
0xa6: {  	[sflag:s22] =	ssyncadd.s32 s5;
	_ =	sdelay $0x1  }
0xa7: {  	s23 =	simm.s32 $0x1B8B  }
0xa8: {  	_ =	swait.ge [sflag:s23], $0x1  }
0xa9: {  	[sflag:s23] =	ssyncset.done $0x0  }
0xaa: {  	s25 =	simm.s32 $0x1B8E;
	s24 =	sld [smem:$0x3FFE];
	[sflag:s23] =	ssyncadd.s32 $0xFFFFFFFF  }
0xab: {  	s26 =	simm.s32 $execute0_lowered;
	[smem:$0x3FD2] =	sst s25  }
0xac: {  	s6 =	sshll.u32 s26, $0x1;
	_ =	strace $0x80000046;
	[dreg:$0x1] =	wrdreg $0xFFFFFFFF  }
0xad: {  	s28 =	simm.s32 $_size_execute0_lowered;
	s4 =	sadd.s32 s4, s6;
	[dreg:$0x0] =	wrdreg $0x0  }
0xae: {  	s6 =	sshll.u32 s28, $0x1;
	[dreg:$0x2] =	wrdreg s4  }
0xaf: {  	[dreg:$0x3] =	wrdreg s6  }
0xb0: {  	[dreg:$0x4] =	wrdreg $0xC0  }
0xb1: {  	_ =	task [dreg:s8], $0x5FFFF  }
0xb2: {  	[dreg:$0x1] =	wrdreg $0xFFFFFFFF  }
0xb3: {  	[dreg:$0x0] =	wrdreg $0x60  }
0xb4: {  	[dreg:$0x2] =	wrdreg s15  }
0xb5: {  	[dreg:$0x3] =	wrdreg s24  }
0xb6: {  	[dreg:$0x4] =	wrdreg s16  }
0xb7: {  	[dreg:$0x5] =	wrdreg $0x9  }
0xb8: {  	_ =	task.clear_ibuf [dreg:s8], $0x6FFFF;
	_ =	strace $0x90000046  }
0xb9: {  	s29 =	simm.s32 $0x9;
	_ =	strace $0x80000048  }
0xba: {  	_ =	swait.ge [sflag:s29], $0x1  }
0xbb: {  	[sflag:s29] =	ssyncadd.s32 $0xFFFFFFFF  }
0xbc: {  	_ =	strace $0x90000048  }
0xbd: {  	_ =	sfence  }
0xbe: {  	s30 =	sld [smem:$0x0];
	_ =	sdelay $0x2  }
0xbf: {  	s31 =	sshll.u32 s1, $0xD;
	s1 =	sshrl.u32 s1, $0x2  }
0xc0: {  	s3 =	sand.u32 $0x4000, s31;
	s1 =	sadd.s32 s1, s30  }
0xc1: {  	s0 =	sor.u32 s3, s0;
	s1 =	sshll.u32 s1, $0x11  }
0xc2: {  	s0 =	sor.u32 s1, s0  }
0xc3: {  	s0 =	sadd.s32 $0x8F2B, s0  }
0xc4: {  	[sflag:s0] =	ssyncadd.remote.s32 $0x1  }
0xc5: {  	_ =	sfence.sel $0xFFFF  }
0xc6: {  	[dreg:$0x0] =	wrdreg $0xFFFFFFFF;
	(pc) =	sbr.abs _section_cstart, $3  }
0xc7: {  	[dreg:$0x1] =	wrdreg $0xFFFFFFFF  }
0xc8: {  	_ =	task.clear_ibuf [dreg:s8], $0x2FFFF;
	_ =	strace $0x9FFFFFFF  }
0xc9: {  	(tm) =	ssettm $0x7FFFFFFF  }
tec
execute0_lowered:
.L_overlay_start_1:
0x0: {  	(tag) =	ssettag $0x1  }
0x1: {  	s1 =	stileid.u32  }
0x2: {  	p0 =	sgt.u32 s1, $0x3  }
.Ltmp0:
0x3: {  	s3 =	rddreg [dreg:$0x0];
	(pc) =	sbr.rel @p0 .LBB2_4-.Ltmp0, $4  }
0x4: {  	s4 =	rddreg [dreg:$0x1]  }
0x5: {  	s8 =	rddreg [dreg:$0x2];
	s2 =	simm.s32 $0x0  }
0x6: {  	[smem:$0x7FF] =	sst s2  }
0x7: {  	s0 =	rddreg [dreg:$0x3];
	_ =	strace $0x80000047  }
0x8: {  	s5 =	srdreg.scid  }
0x9: {  	s9 =	sand.u32 $0x1, s5  }
0xa: {  	s6 =	sshll.u32 s1, $0x5;
	s7 =	sshll.u32 s9, $0x4  }
0xb: {  	s5 =	sadd.s32 $0x800, s4;
	s10 =	sor.u32 s7, s6;
	s6 =	simm.s32 $0xA00  }
0xc: {  	[tilespmem:s6], [sflag:$0x1] =	stream.linear.gather [hbm4b:s5+s2], $0x80, $0x38;
	[tilespmem:$0xA80] =	vst v63  }
0xd: {  	s4 =	simm.s32 $0x400;
	s7 =	sadd.s32 s3, s10;
	s3 =	simm.s32 $0x80  }
0xe: {  	v0 =	vimm.s32 $0x0;
	[tilespmem:s2], [sflag:$0x2] =	stream.strided.gather [hbm4b:s7+s3], $0x800, s4, s3, $0x38;
	[tilespmem:$0xA80] =	vst v63  }
0xf: {  	[tilespmem:$0x9F0] =	vst v0  }
0x10: {  	[tilespmem:$0x9E0] =	vst v0  }
0x11: {  	[tilespmem:$0x9D0] =	vst v0  }
0x12: {  	[tilespmem:$0x9C0] =	vst v0  }
0x13: {  	[tilespmem:$0x9B0] =	vst v0  }
0x14: {  	[tilespmem:$0x9A0] =	vst v0  }
0x15: {  	[tilespmem:$0x990] =	vst v0  }
0x16: {  	[tilespmem:$0x980] =	vst v0  }
0x17: {  	[tilespmem:$0x970] =	vst v0  }
0x18: {  	[tilespmem:$0x960] =	vst v0  }
0x19: {  	[tilespmem:$0x950] =	vst v0  }
0x1a: {  	s9 =	ssub.s32 $0x2, s9;
	[tilespmem:$0x940] =	vst v0  }
0x1b: {  	s11 =	sshrl.u32 s9, $0x1;
	[tilespmem:$0x930] =	vst v0  }
0x1c: {  	s9 =	ssub.s32 s9, s11;
	[tilespmem:$0x920] =	vst v0  }
0x1d: {  	s12 =	smax.u32 s9, $0x1;
	[tilespmem:$0x910] =	vst v0  }
0x1e: {  	p0 =	sne.s32 s12, $0x1;
	[tilespmem:$0x900] =	vst v0  }
.Ltmp1:
0x1f: {  	[tilespmem:$0x8F0] =	vst v0;
	(pc) =	sbr.rel @!p0 .LBB2_3-.Ltmp1, $4  }
0x20: {  	[tilespmem:$0x8E0] =	vst v0  }
0x21: {  	[tilespmem:$0x8D0] =	vst v0  }
0x22: {  	s8 =	sadd.s32 s8, s10;
	s11 =	simm.s32 $0x1;
	[tilespmem:$0x8C0] =	vst v0  }
0x23: {  	v1 =	vimm.s32 $0x1;
	s10 =	simm.s32 $0x2;
	s9 =	simm.s32 $0x3;
	s12 =	sadd.s32 $0xFFFFFFFF, s12;
	[tilespmem:$0x8B0] =	vst v0  }
.LBB2_2:
0x24: {  	p0 =	sne.s32 s12, $0x1;
	s12 =	sadd.s32 $0xFFFFFFFF, s12;
	[tilespmem:$0x8A0] =	vst v0  }
0x25: {  	[tilespmem:$0x890] =	vst v0  }
0x26: {  	[tilespmem:$0x880] =	vst v0  }
0x27: {  	[tilespmem:$0x870] =	vst v0  }
0x28: {  	[tilespmem:$0x860] =	vst v0  }
0x29: {  	[tilespmem:$0x850] =	vst v0  }
0x2a: {  	[tilespmem:$0x840] =	vst v0  }
0x2b: {  	[tilespmem:$0x830] =	vst v0  }
0x2c: {  	[tilespmem:$0x820] =	vst v0  }
0x2d: {  	[tilespmem:$0x800] =	vst v0  }
0x2e: {  	[tilespmem:$0x810] =	vst v0  }
0x2f: {  	_ =	swait.ge [sflag:s11], $0x80  }
0x30: {  	[sflag:s11] =	ssyncset.done $0x0  }
0x31: {  	[sflag:s11] =	ssyncadd.s32 $0xFFFFFF80  }
0x32: {  	v2 =	vld [tilespmem:$0xA00];
	_ =	sdelay $0x4  }
0x33: {  	v2 =	vadd.s32 $0x800, v2;
	_ =	sdelay $0x4  }
0x34: {  	[tilespmem:v2+s2+$0x0] =	vst.idx.msk $0x1, v1  }
0x35: {  	_ =	swait.ge [sflag:s10], $0x800  }
0x36: {  	[sflag:s10] =	ssyncset.done $0x0  }
0x37: {  	[sflag:s10] =	ssyncadd.s32 $0xFFFFF800  }
0x38: {  	[hbm4b:s8+s3] =	stream.strided.scatter [tilespmem:s2], [sflag:$0x3], $0xA00, s4, s3, $0x38;
	[tilespmem:$0xA80] =	vst v63  }
0x39: {  	_ =	swait.ge [sflag:s9], $0xA00  }
0x3a: {  	[sflag:s9] =	ssyncset.done $0x0  }
0x3b: {  	[sflag:s9] =	ssyncadd.s32 $0xFFFFF600  }
0x3c: {  	[tilespmem:s6], [sflag:$0x1] =	stream.linear.gather [hbm4b:s5+s2], $0x80, $0x38;
	[tilespmem:$0xA80] =	vst v63  }
0x3d: {  	_ = 	snop  }
0x3e: {  	[tilespmem:s2], [sflag:$0x2] =	stream.strided.gather [hbm4b:s7+s3], $0x800, s4, s3, $0x38;
	[tilespmem:$0xA80] =	vst v63  }
0x3f: {  	[tilespmem:$0x9F0] =	vst v0  }
0x40: {  	[tilespmem:$0x9E0] =	vst v0  }
0x41: {  	[tilespmem:$0x9D0] =	vst v0  }
0x42: {  	[tilespmem:$0x9C0] =	vst v0  }
0x43: {  	[tilespmem:$0x9B0] =	vst v0  }
0x44: {  	[tilespmem:$0x9A0] =	vst v0  }
0x45: {  	[tilespmem:$0x990] =	vst v0  }
0x46: {  	[tilespmem:$0x980] =	vst v0  }
0x47: {  	[tilespmem:$0x970] =	vst v0  }
0x48: {  	[tilespmem:$0x960] =	vst v0  }
0x49: {  	[tilespmem:$0x950] =	vst v0  }
0x4a: {  	[tilespmem:$0x940] =	vst v0  }
0x4b: {  	[tilespmem:$0x930] =	vst v0  }
0x4c: {  	[tilespmem:$0x920] =	vst v0  }
0x4d: {  	[tilespmem:$0x910] =	vst v0  }
0x4e: {  	[tilespmem:$0x900] =	vst v0  }
.Ltmp2:
0x4f: {  	[tilespmem:$0x8F0] =	vst v0;
	(pc) =	sbr.rel @p0 .LBB2_2-.Ltmp2, $4  }
0x50: {  	[tilespmem:$0x8E0] =	vst v0  }
0x51: {  	[tilespmem:$0x8D0] =	vst v0  }
0x52: {  	[tilespmem:$0x8C0] =	vst v0  }
0x53: {  	[tilespmem:$0x8B0] =	vst v0  }
.LBB2_3:
0x54: {  	[tilespmem:$0x8A0] =	vst v0  }
0x55: {  	[tilespmem:$0x890] =	vst v0  }
0x56: {  	[tilespmem:$0x880] =	vst v0  }
0x57: {  	[tilespmem:$0x870] =	vst v0  }
0x58: {  	[tilespmem:$0x860] =	vst v0  }
0x59: {  	[tilespmem:$0x850] =	vst v0  }
0x5a: {  	[tilespmem:$0x840] =	vst v0  }
0x5b: {  	[tilespmem:$0x830] =	vst v0  }
0x5c: {  	[tilespmem:$0x820] =	vst v0  }
0x5d: {  	[tilespmem:$0x800] =	vst v0  }
0x5e: {  	[tilespmem:$0x810] =	vst v0  }
0x5f: {  	_ =	swait.ge [sflag:s11], $0x80  }
0x60: {  	[sflag:s11] =	ssyncset.done $0x0  }
0x61: {  	[sflag:s11] =	ssyncadd.s32 $0xFFFFFF80  }
0x62: {  	v63 =	vld [tilespmem:$0xA00];
	_ =	sdelay $0x4  }
0x63: {  	v0 =	vadd.s32 $0x800, v63;
	_ =	sdelay $0x4  }
0x64: {  	[tilespmem:v0+s2+$0x0] =	vst.idx.msk $0x1, v1  }
0x65: {  	_ =	swait.ge [sflag:s10], $0x800  }
0x66: {  	[sflag:s10] =	ssyncset.done $0x0  }
0x67: {  	[sflag:s10] =	ssyncadd.s32 $0xFFFFF800  }
0x68: {  	[hbm4b:s8+s3] =	stream.strided.scatter [tilespmem:s2], [sflag:$0x3], $0xA00, s4, s3, $0x38;
	[tilespmem:$0xA80] =	vst v63  }
0x69: {  	_ =	swait.ge [sflag:s9], $0xA00  }
0x6a: {  	[sflag:s9] =	ssyncset.done $0x0  }
0x6b: {  	[sflag:s9] =	ssyncadd.s32 $0xFFFFF600  }
.LBB2_4:
0x6c: {  	_ =	sfence.sel $0x180000  }
0x6d: {  	[bflag:$0x0] =	sbarrier.arrive $0xFFFF  }
0x6e: {  	p0 =	sne.s32 s1, $0x0;
	_ =	strace $0x90000047  }
0x6f: {  	s0 =	sadd.s32 @!p0 $0x100000, s0;
	[bflag:$0x2] =	sbarrier.arrive $0xFFFF  }
0x70: {  	[sflag:s0] =	ssyncadd.tile.s32 @!p0 $0x1;
	_ =	shalt  }
.Lfunc_end2:
_tile_overlayer_lowered:
.L_overlay_start_2:
0x71: {  	(tag) =	ssettag $0x2  }
0x72: {  	s0 =	rddreg [dreg:$0x0];
	s2 =	stileid.u32  }
0x73: {  	s1 =	rddreg [dreg:$0x1];
	p0 =	sne.s32 s2, $0x0  }
0x74: {  	s3 =	rddreg [dreg:$0x2];
	[bflag:$0x3] =	sbarrier.arrive $0xFFFF;
	s2 =	simm.s32 @!p0 $0x1C01  }
0x75: {  	[timem:s3], [sflag:s2] =	dma.local @!p0 [hbm:s0], s1  }
0x76: {  	s0 =	simm.s32 @!p0 $0x1  }
0x77: {  	_ =	swait.ge @!p0 [sflag:s0], s1  }
0x78: {  	s1 =	ssub.s32 @!p0 $0x0, s1;
	[sflag:s0] =	ssyncset.done @!p0 $0x0  }
0x79: {  	[sflag:s0] =	ssyncadd.s32 @!p0 s1  }
0x7a: {  	[bflag:$0x3] =	sbarrier.arrive $0xFFFF  }
0x7b: {  	_ =	shalt  }

</sc_bundles>
